<compile_context>
chip_gen: v7x
topology: tpu7x:2x2x1
jax: 0.10.2.dev20260603
libtpu: 0.0.44.dev20260713+nightly
codegen_flags: <defaults>
</compile_context>

<pallas_src>
import functools

import jax
import jax.numpy as jnp
from jax import lax
from jax.experimental import pallas as pl
from jax.experimental.pallas import tpu as pltpu
from jax.experimental.pallas import tpu_sc as plsc

_RADIUS2 = 0.2 * 0.2
_K = 32
_PB = 128
_INT_BIG = 2**30
_D_PAD = 48

_SC_CORES = 2
_SC_SUBCORES = 16
_SC_NW = _SC_CORES * _SC_SUBCORES
_SC_CH = 1024


def _ballquery_body(qT_ref, xT_ref, oidx_ref, w_ref, iota_ref):
    PB = qT_ref.shape[2]
    N = xT_ref.shape[2]
    qb = qT_ref[0]
    xb = xT_ref[0]
    q0, q1, q2c = qb[0], qb[1], qb[2]
    qsq = (q0 * q0 + q1 * q1) + q2c * q2c
    x0, x1, x2c = xb[0], xb[1], xb[2]
    xsq = (x0 * x0 + x1 * x1) + x2c * x2c
    dot = lax.dot_general(qb, xb, (((0,), (0,)), ((), ())),
                          preferred_element_type=jnp.float32)
    w_ref[...] = jnp.maximum((qsq[:, None] + xsq[None, :]) - 2.0 * dot, 0.0)
    iota_ref[...] = lax.broadcasted_iota(jnp.int32, (PB, N), 1)

    _U = 8

    def ext_body(g, carry):
        rv, ri = carry
        w = w_ref[...]
        iota = iota_ref[...]
        iotaK = lax.broadcasted_iota(jnp.int32, (PB, _K), 1)
        for t in range(_U):
            m = jnp.min(w, axis=1)
            ci = jnp.min(jnp.where(w == m[:, None], iota,
                                   jnp.int32(2**31 - 1)), axis=1)
            w = jnp.where(iota == ci[:, None], jnp.inf, w)
            onek = iotaK == g * _U + t
            rv = jnp.where(onek, m[:, None], rv)
            ri = jnp.where(onek, ci[:, None], ri)
        w_ref[...] = w
        return rv, ri

    rv0 = jnp.full((PB, _K), jnp.inf, dtype=jnp.float32)
    ri0 = _INT_BIG + lax.broadcasted_iota(jnp.int32, (PB, _K), 1)
    runval, runidx = lax.fori_loop(0, _K // _U, ext_body, (rv0, ri0))

    mask = runval <= _RADIUS2
    iotaK = lax.broadcasted_iota(jnp.int32, (PB, _K), 1)
    lv = jnp.max(jnp.where(mask, iotaK, -1), axis=1)
    lvc = jnp.maximum(lv, 0)
    gl = jnp.sum(jnp.where(iotaK == lvc[:, None], runidx, 0), axis=1)
    oidx_ref[0] = jnp.where(mask, runidx, gl[:, None])


def _ballquery_idx(qT, xT):
    B, _, P = qT.shape
    N = xT.shape[2]
    return pl.pallas_call(
        _ballquery_body,
        grid=(B, P // _PB),
        in_specs=[
            pl.BlockSpec((1, 3, _PB), lambda b, p: (b, 0, p)),
            pl.BlockSpec((1, 3, N), lambda b, p: (b, 0, 0)),
        ],
        out_specs=pl.BlockSpec((1, _PB, _K), lambda b, p: (b, p, 0)),
        out_shape=jax.ShapeDtypeStruct((B, P, _K), jnp.int32),
        scratch_shapes=[pltpu.VMEM((_PB, N), jnp.float32),
                        pltpu.VMEM((_PB, N), jnp.int32)],
        compiler_params=pltpu.CompilerParams(
            dimension_semantics=("parallel", "parallel")),
    )(qT, xT)


def _make_sc_gather(n_idx):
    b_per_w = n_idx // _SC_NW
    mesh = plsc.VectorSubcoreMesh(core_axis_name="c", subcore_axis_name="s")

    @functools.partial(
        pl.kernel, mesh=mesh,
        compiler_params=pltpu.CompilerParams(use_tc_tiling_on_sc=False),
        out_type=jax.ShapeDtypeStruct((n_idx, _D_PAD), jnp.float32),
        scratch_types=[
            pltpu.VMEM((b_per_w,), jnp.int32),
            pltpu.VMEM((_SC_CH, _D_PAD), jnp.float32),
            pltpu.SemaphoreType.DMA,
        ],
    )
    def gather_k(table_hbm, idx_hbm, out_hbm, idx_v, rows_v, sem):
        wid = lax.axis_index("s") * _SC_CORES + lax.axis_index("c")
        base = wid * b_per_w
        pltpu.sync_copy(idx_hbm.at[pl.ds(base, b_per_w)], idx_v)
        for j in range(b_per_w // _SC_CH):
            pltpu.async_copy(
                table_hbm.at[idx_v.at[pl.ds(j * _SC_CH, _SC_CH)]],
                rows_v, sem).wait()
            pltpu.sync_copy(
                rows_v, out_hbm.at[pl.ds(base + j * _SC_CH, _SC_CH)])

    return gather_k


def kernel(xyz, new_xyz, features):
    B, N, _ = xyz.shape
    P = new_xyz.shape[1]
    C = features.shape[1]

    qT = jnp.transpose(new_xyz, (0, 2, 1))
    xT = jnp.transpose(xyz, (0, 2, 1))
    idx = _ballquery_idx(qT, xT)

    table = jnp.concatenate(
        [xyz, jnp.transpose(features, (0, 2, 1)),
         jnp.zeros((B, N, _D_PAD - 3 - C), jnp.float32)], axis=2)
    table = table.reshape(B * N, _D_PAD)
    flat_idx = (idx + (jnp.arange(B, dtype=jnp.int32) * N)[:, None, None])
    flat_idx = flat_idx.reshape(-1)

    g = _make_sc_gather(flat_idx.shape[0])(table, flat_idx)
    g = g.reshape(B, P, _K, _D_PAD)
    gx = g[..., 0:3] - new_xyz[:, :, None, :]
    gf = g[..., 3:3 + C]
    out = jnp.concatenate([gx, gf], axis=-1)
    return jnp.transpose(out, (0, 3, 1, 2))

# --- scband reference (transcript-rebuilt; emitter-appended) ---
"""Pipeline reference for scband-query-and-group-19121194402076 (READ-ONLY COPY).

The authoritative reference and input builder live on the scoring server;
editing this copy changes nothing except your own understanding.
"""

import jax, jax.numpy as jnp
import numpy as np

RADIUS = 0.2
NSAMPLE = 32


def knn_points(p1, p2, K):
    # squared euclidean distances (B, N, M), equivalent to torch.cdist(p1, p2, p=2)**2
    d2 = (jnp.sum(p1 * p1, axis=-1)[:, :, None]
          + jnp.sum(p2 * p2, axis=-1)[:, None, :]
          - 2.0 * jnp.einsum('bnd,bmd->bnm', p1, p2))
    d2 = jnp.maximum(d2, 0.0)
    neg_vals, idx = jax.lax.top_k(-d2, K)  # K smallest distances, sorted ascending
    return -neg_vals, idx


def ball_query(radius, nsample, xyz, new_xyz):
    d2, idx = knn_points(new_xyz, xyz, nsample)
    mask = d2 <= radius * radius
    any_valid = jnp.any(mask, axis=-1, keepdims=True)
    cum = jnp.minimum(jnp.cumsum(mask.astype(jnp.int32), axis=-1), 1)
    last_valid_pos = jnp.where(any_valid, jnp.sum(cum, axis=-1, keepdims=True) - 1, 0)
    gather_last = jnp.take_along_axis(idx, last_valid_pos, axis=-1)
    idx = jnp.where(mask, idx, gather_last)
    return idx


def grouping_operation(features, idx):
    # features: (B, C, N), idx: (B, P, K) -> (B, C, P, K)
    return jnp.take_along_axis(features[:, :, None, :], idx[:, None, :, :], axis=3)


def setup_inputs(seed: int = 0) -> dict:
    key = jax.random.key(seed)
    k1, k2, k3 = jax.random.split(key, 3)
    xyz = jax.random.uniform(k1, (2, 16384, 3), dtype=jnp.float32)
    new_xyz = jax.random.uniform(k2, (2, 2048, 3), dtype=jnp.float32)
    features = jax.random.normal(k3, (2, 32, 16384), dtype=jnp.float32)
    return {"xyz": xyz, "new_xyz": new_xyz, "features": features}


def reference(xyz, new_xyz, features):
    idx = ball_query(RADIUS, NSAMPLE, xyz, new_xyz)
    xyz_trans = jnp.transpose(xyz, (0, 2, 1))
    grouped_xyz = grouping_operation(xyz_trans, idx)
    grouped_xyz = grouped_xyz - jnp.transpose(new_xyz, (0, 2, 1))[:, :, :, None]
    grouped_features = grouping_operation(features, idx)
    new_features = jnp.concatenate([grouped_xyz, grouped_features], axis=1)
    return new_features

if __name__ == "__main__":
    import jax
    _d = setup_inputs()
    print(jax.jit(kernel)(*tuple(_d.values())))

</pallas_src>

<mosaic_0001>
#map = affine_map<(d0, d1) -> (0, 0)>
#map1 = affine_map<(d0, d1) -> (0)>
module attributes {stable_mosaic.version = 14 : i64} {
  func.func @gather_k(%arg0: i32, %arg1: i32, %arg2: memref<32768x48xf32, #tpu.memory_space<hbm>>, %arg3: memref<131072xi32, #tpu.memory_space<hbm>>, %arg4: memref<131072x48xf32, #tpu.memory_space<hbm>>, %arg5: memref<4096xi32, #tpu.memory_space<vmem>>, %arg6: memref<1024x48xf32, #tpu.memory_space<vmem>>, %arg7: memref<!tpu.dma_semaphore, #tpu.memory_space<semaphore_mem>>) attributes {dimension_semantics = [#tpu.dimension_semantics<core_parallel>, #tpu.dimension_semantics<subcore_parallel>], iteration_bounds = array<i64: 2, 16>, scalar_prefetch = 0 : i64, scratch_operands = 3 : i64, tpu.core_type = #tpu.core_type<sc_vector_subcore>, window_params = [{transform_indices = #map}, {transform_indices = #map1}, {transform_indices = #map}]} {
    %mul3A = arith.constant 2 : i32
    %mul3A_0 = arith.muli %arg1, %mul3A : i32
    %add3A = arith.addi %mul3A_0, %arg0 : i32
    %mul3A_1 = arith.constant 4096 : i32
    %mul3A_2 = arith.muli %add3A, %mul3A_1 : i32
    "tpu.region"() ({
      %run_scoped3A = tpu.sem_alloc : memref<!tpu.dma_semaphore, #tpu.memory_space<semaphore_mem>>
      %dma_start3A_49 = tpu.memref_slice %arg3[%mul3A_2] : memref<131072xi32, #tpu.memory_space<hbm>> -> memref<4096xi32, #tpu.memory_space<hbm>>
      %dma_start3A_50 = tpu.memref_slice %arg3[%mul3A_2] : memref<131072xi32, #tpu.memory_space<hbm>> -> memref<4096xi32, #tpu.memory_space<hbm>>
      tpu.enqueue_dma source(%dma_start3A_50 : memref<4096xi32, #tpu.memory_space<hbm>>) target(%arg5 : memref<4096xi32, #tpu.memory_space<vmem>>) target_semaphore(%run_scoped3A : memref<!tpu.dma_semaphore, #tpu.memory_space<semaphore_mem>>)
      %dma_wait3A_51 = tpu.memref_slice %arg3[%mul3A_2] : memref<131072xi32, #tpu.memory_space<hbm>> -> memref<4096xi32, #tpu.memory_space<hbm>>
      %dma_wait3A_52 = tpu.memref_slice %arg3[%mul3A_2] : memref<131072xi32, #tpu.memory_space<hbm>> -> memref<4096xi32, #tpu.memory_space<hbm>>
      tpu.wait_dma2 semaphore(%run_scoped3A : memref<!tpu.dma_semaphore, #tpu.memory_space<semaphore_mem>>) src(%dma_wait3A_52 : memref<4096xi32, #tpu.memory_space<hbm>>) dst(%arg5 : memref<4096xi32, #tpu.memory_space<vmem>>)
      tpu.yield
    }) : () -> ()
    %dma_start3A = arith.constant 0 : i32
    %dma_start3A_3 = tpu.memref_slice %arg5[%dma_start3A] : memref<4096xi32, #tpu.memory_space<vmem>> -> memref<1024xi32, #tpu.memory_space<vmem>>
    %dma_start3A_4 = arith.constant 0 : i32
    %dma_start3A_5 = arith.constant 0 : i32
    %dma_start3A_6 = tpu.memref_slice %arg2[%dma_start3A_4, %dma_start3A_5] : memref<32768x48xf32, #tpu.memory_space<hbm>> -> memref<32768x48xf32, #tpu.memory_space<hbm>>
    tpu.enqueue_indirect_dma source(%dma_start3A_6 : memref<32768x48xf32, #tpu.memory_space<hbm>>) target(%arg6 : memref<1024x48xf32, #tpu.memory_space<vmem>>) offsets(%dma_start3A_3 : memref<1024xi32, #tpu.memory_space<vmem>>) semaphore(%arg7 : memref<!tpu.dma_semaphore, #tpu.memory_space<semaphore_mem>>)
    %dma_wait3A = arith.constant 0 : i32
    %dma_wait3A_7 = tpu.memref_slice %arg5[%dma_wait3A] : memref<4096xi32, #tpu.memory_space<vmem>> -> memref<1024xi32, #tpu.memory_space<vmem>>
    %dma_wait3A_8 = arith.constant 0 : i32
    %dma_wait3A_9 = arith.constant 0 : i32
    %dma_wait3A_10 = tpu.memref_slice %arg2[%dma_wait3A_8, %dma_wait3A_9] : memref<32768x48xf32, #tpu.memory_space<hbm>> -> memref<32768x48xf32, #tpu.memory_space<hbm>>
    tpu.wait_indirect_dma semaphore(%arg7 : memref<!tpu.dma_semaphore, #tpu.memory_space<semaphore_mem>>) src(%dma_wait3A_10 : memref<32768x48xf32, #tpu.memory_space<hbm>>) dst(%arg6 : memref<1024x48xf32, #tpu.memory_space<vmem>>)
    %add3A_11 = arith.constant 0 : i32
    %add3A_12 = arith.addi %mul3A_2, %add3A_11 : i32
    "tpu.region"() ({
      %run_scoped3A = tpu.sem_alloc : memref<!tpu.dma_semaphore, #tpu.memory_space<semaphore_mem>>
      %dma_start3A_49 = arith.constant 0 : i32
      %dma_start3A_50 = tpu.memref_slice %arg4[%add3A_12, %dma_start3A_49] : memref<131072x48xf32, #tpu.memory_space<hbm>> -> memref<1024x48xf32, #tpu.memory_space<hbm>>
      %dma_start3A_51 = arith.constant 0 : i32
      %dma_start3A_52 = tpu.memref_slice %arg4[%add3A_12, %dma_start3A_51] : memref<131072x48xf32, #tpu.memory_space<hbm>> -> memref<1024x48xf32, #tpu.memory_space<hbm>>
      tpu.enqueue_dma source(%arg6 : memref<1024x48xf32, #tpu.memory_space<vmem>>) target(%dma_start3A_52 : memref<1024x48xf32, #tpu.memory_space<hbm>>) target_semaphore(%run_scoped3A : memref<!tpu.dma_semaphore, #tpu.memory_space<semaphore_mem>>)
      %dma_wait3A_53 = arith.constant 0 : i32
      %dma_wait3A_54 = tpu.memref_slice %arg4[%add3A_12, %dma_wait3A_53] : memref<131072x48xf32, #tpu.memory_space<hbm>> -> memref<1024x48xf32, #tpu.memory_space<hbm>>
      %dma_wait3A_55 = arith.constant 0 : i32
      %dma_wait3A_56 = tpu.memref_slice %arg4[%add3A_12, %dma_wait3A_55] : memref<131072x48xf32, #tpu.memory_space<hbm>> -> memref<1024x48xf32, #tpu.memory_space<hbm>>
      tpu.wait_dma2 semaphore(%run_scoped3A : memref<!tpu.dma_semaphore, #tpu.memory_space<semaphore_mem>>) src(%arg6 : memref<1024x48xf32, #tpu.memory_space<vmem>>) dst(%dma_wait3A_56 : memref<1024x48xf32, #tpu.memory_space<hbm>>)
      tpu.yield
    }) : () -> ()
    %dma_start3A_13 = arith.constant 1024 : i32
    %dma_start3A_14 = tpu.memref_slice %arg5[%dma_start3A_13] : memref<4096xi32, #tpu.memory_space<vmem>> -> memref<1024xi32, #tpu.memory_space<vmem>>
    %dma_start3A_15 = arith.constant 0 : i32
    %dma_start3A_16 = arith.constant 0 : i32
    %dma_start3A_17 = tpu.memref_slice %arg2[%dma_start3A_15, %dma_start3A_16] : memref<32768x48xf32, #tpu.memory_space<hbm>> -> memref<32768x48xf32, #tpu.memory_space<hbm>>
    tpu.enqueue_indirect_dma source(%dma_start3A_17 : memref<32768x48xf32, #tpu.memory_space<hbm>>) target(%arg6 : memref<1024x48xf32, #tpu.memory_space<vmem>>) offsets(%dma_start3A_14 : memref<1024xi32, #tpu.memory_space<vmem>>) semaphore(%arg7 : memref<!tpu.dma_semaphore, #tpu.memory_space<semaphore_mem>>)
    %dma_wait3A_18 = arith.constant 1024 : i32
    %dma_wait3A_19 = tpu.memref_slice %arg5[%dma_wait3A_18] : memref<4096xi32, #tpu.memory_space<vmem>> -> memref<1024xi32, #tpu.memory_space<vmem>>
    %dma_wait3A_20 = arith.constant 0 : i32
    %dma_wait3A_21 = arith.constant 0 : i32
    %dma_wait3A_22 = tpu.memref_slice %arg2[%dma_wait3A_20, %dma_wait3A_21] : memref<32768x48xf32, #tpu.memory_space<hbm>> -> memref<32768x48xf32, #tpu.memory_space<hbm>>
    tpu.wait_indirect_dma semaphore(%arg7 : memref<!tpu.dma_semaphore, #tpu.memory_space<semaphore_mem>>) src(%dma_wait3A_22 : memref<32768x48xf32, #tpu.memory_space<hbm>>) dst(%arg6 : memref<1024x48xf32, #tpu.memory_space<vmem>>)
    %add3A_23 = arith.constant 1024 : i32
    %add3A_24 = arith.addi %mul3A_2, %add3A_23 : i32
    "tpu.region"() ({
      %run_scoped3A = tpu.sem_alloc : memref<!tpu.dma_semaphore, #tpu.memory_space<semaphore_mem>>
      %dma_start3A_49 = arith.constant 0 : i32
      %dma_start3A_50 = tpu.memref_slice %arg4[%add3A_24, %dma_start3A_49] : memref<131072x48xf32, #tpu.memory_space<hbm>> -> memref<1024x48xf32, #tpu.memory_space<hbm>>
      %dma_start3A_51 = arith.constant 0 : i32
      %dma_start3A_52 = tpu.memref_slice %arg4[%add3A_24, %dma_start3A_51] : memref<131072x48xf32, #tpu.memory_space<hbm>> -> memref<1024x48xf32, #tpu.memory_space<hbm>>
      tpu.enqueue_dma source(%arg6 : memref<1024x48xf32, #tpu.memory_space<vmem>>) target(%dma_start3A_52 : memref<1024x48xf32, #tpu.memory_space<hbm>>) target_semaphore(%run_scoped3A : memref<!tpu.dma_semaphore, #tpu.memory_space<semaphore_mem>>)
      %dma_wait3A_53 = arith.constant 0 : i32
      %dma_wait3A_54 = tpu.memref_slice %arg4[%add3A_24, %dma_wait3A_53] : memref<131072x48xf32, #tpu.memory_space<hbm>> -> memref<1024x48xf32, #tpu.memory_space<hbm>>
      %dma_wait3A_55 = arith.constant 0 : i32
      %dma_wait3A_56 = tpu.memref_slice %arg4[%add3A_24, %dma_wait3A_55] : memref<131072x48xf32, #tpu.memory_space<hbm>> -> memref<1024x48xf32, #tpu.memory_space<hbm>>
      tpu.wait_dma2 semaphore(%run_scoped3A : memref<!tpu.dma_semaphore, #tpu.memory_space<semaphore_mem>>) src(%arg6 : memref<1024x48xf32, #tpu.memory_space<vmem>>) dst(%dma_wait3A_56 : memref<1024x48xf32, #tpu.memory_space<hbm>>)
      tpu.yield
    }) : () -> ()
    %dma_start3A_25 = arith.constant 2048 : i32
    %dma_start3A_26 = tpu.memref_slice %arg5[%dma_start3A_25] : memref<4096xi32, #tpu.memory_space<vmem>> -> memref<1024xi32, #tpu.memory_space<vmem>>
    %dma_start3A_27 = arith.constant 0 : i32
    %dma_start3A_28 = arith.constant 0 : i32
    %dma_start3A_29 = tpu.memref_slice %arg2[%dma_start3A_27, %dma_start3A_28] : memref<32768x48xf32, #tpu.memory_space<hbm>> -> memref<32768x48xf32, #tpu.memory_space<hbm>>
    tpu.enqueue_indirect_dma source(%dma_start3A_29 : memref<32768x48xf32, #tpu.memory_space<hbm>>) target(%arg6 : memref<1024x48xf32, #tpu.memory_space<vmem>>) offsets(%dma_start3A_26 : memref<1024xi32, #tpu.memory_space<vmem>>) semaphore(%arg7 : memref<!tpu.dma_semaphore, #tpu.memory_space<semaphore_mem>>)
    %dma_wait3A_30 = arith.constant 2048 : i32
    %dma_wait3A_31 = tpu.memref_slice %arg5[%dma_wait3A_30] : memref<4096xi32, #tpu.memory_space<vmem>> -> memref<1024xi32, #tpu.memory_space<vmem>>
    %dma_wait3A_32 = arith.constant 0 : i32
    %dma_wait3A_33 = arith.constant 0 : i32
    %dma_wait3A_34 = tpu.memref_slice %arg2[%dma_wait3A_32, %dma_wait3A_33] : memref<32768x48xf32, #tpu.memory_space<hbm>> -> memref<32768x48xf32, #tpu.memory_space<hbm>>
    tpu.wait_indirect_dma semaphore(%arg7 : memref<!tpu.dma_semaphore, #tpu.memory_space<semaphore_mem>>) src(%dma_wait3A_34 : memref<32768x48xf32, #tpu.memory_space<hbm>>) dst(%arg6 : memref<1024x48xf32, #tpu.memory_space<vmem>>)
    %add3A_35 = arith.constant 2048 : i32
    %add3A_36 = arith.addi %mul3A_2, %add3A_35 : i32
    "tpu.region"() ({
      %run_scoped3A = tpu.sem_alloc : memref<!tpu.dma_semaphore, #tpu.memory_space<semaphore_mem>>
      %dma_start3A_49 = arith.constant 0 : i32
      %dma_start3A_50 = tpu.memref_slice %arg4[%add3A_36, %dma_start3A_49] : memref<131072x48xf32, #tpu.memory_space<hbm>> -> memref<1024x48xf32, #tpu.memory_space<hbm>>
      %dma_start3A_51 = arith.constant 0 : i32
      %dma_start3A_52 = tpu.memref_slice %arg4[%add3A_36, %dma_start3A_51] : memref<131072x48xf32, #tpu.memory_space<hbm>> -> memref<1024x48xf32, #tpu.memory_space<hbm>>
      tpu.enqueue_dma source(%arg6 : memref<1024x48xf32, #tpu.memory_space<vmem>>) target(%dma_start3A_52 : memref<1024x48xf32, #tpu.memory_space<hbm>>) target_semaphore(%run_scoped3A : memref<!tpu.dma_semaphore, #tpu.memory_space<semaphore_mem>>)
      %dma_wait3A_53 = arith.constant 0 : i32
      %dma_wait3A_54 = tpu.memref_slice %arg4[%add3A_36, %dma_wait3A_53] : memref<131072x48xf32, #tpu.memory_space<hbm>> -> memref<1024x48xf32, #tpu.memory_space<hbm>>
      %dma_wait3A_55 = arith.constant 0 : i32
      %dma_wait3A_56 = tpu.memref_slice %arg4[%add3A_36, %dma_wait3A_55] : memref<131072x48xf32, #tpu.memory_space<hbm>> -> memref<1024x48xf32, #tpu.memory_space<hbm>>
      tpu.wait_dma2 semaphore(%run_scoped3A : memref<!tpu.dma_semaphore, #tpu.memory_space<semaphore_mem>>) src(%arg6 : memref<1024x48xf32, #tpu.memory_space<vmem>>) dst(%dma_wait3A_56 : memref<1024x48xf32, #tpu.memory_space<hbm>>)
      tpu.yield
    }) : () -> ()
    %dma_start3A_37 = arith.constant 3072 : i32
    %dma_start3A_38 = tpu.memref_slice %arg5[%dma_start3A_37] : memref<4096xi32, #tpu.memory_space<vmem>> -> memref<1024xi32, #tpu.memory_space<vmem>>
    %dma_start3A_39 = arith.constant 0 : i32
    %dma_start3A_40 = arith.constant 0 : i32
    %dma_start3A_41 = tpu.memref_slice %arg2[%dma_start3A_39, %dma_start3A_40] : memref<32768x48xf32, #tpu.memory_space<hbm>> -> memref<32768x48xf32, #tpu.memory_space<hbm>>
    tpu.enqueue_indirect_dma source(%dma_start3A_41 : memref<32768x48xf32, #tpu.memory_space<hbm>>) target(%arg6 : memref<1024x48xf32, #tpu.memory_space<vmem>>) offsets(%dma_start3A_38 : memref<1024xi32, #tpu.memory_space<vmem>>) semaphore(%arg7 : memref<!tpu.dma_semaphore, #tpu.memory_space<semaphore_mem>>)
    %dma_wait3A_42 = arith.constant 3072 : i32
    %dma_wait3A_43 = tpu.memref_slice %arg5[%dma_wait3A_42] : memref<4096xi32, #tpu.memory_space<vmem>> -> memref<1024xi32, #tpu.memory_space<vmem>>
    %dma_wait3A_44 = arith.constant 0 : i32
    %dma_wait3A_45 = arith.constant 0 : i32
    %dma_wait3A_46 = tpu.memref_slice %arg2[%dma_wait3A_44, %dma_wait3A_45] : memref<32768x48xf32, #tpu.memory_space<hbm>> -> memref<32768x48xf32, #tpu.memory_space<hbm>>
    tpu.wait_indirect_dma semaphore(%arg7 : memref<!tpu.dma_semaphore, #tpu.memory_space<semaphore_mem>>) src(%dma_wait3A_46 : memref<32768x48xf32, #tpu.memory_space<hbm>>) dst(%arg6 : memref<1024x48xf32, #tpu.memory_space<vmem>>)
    %add3A_47 = arith.constant 3072 : i32
    %add3A_48 = arith.addi %mul3A_2, %add3A_47 : i32
    "tpu.region"() ({
      %run_scoped3A = tpu.sem_alloc : memref<!tpu.dma_semaphore, #tpu.memory_space<semaphore_mem>>
      %dma_start3A_49 = arith.constant 0 : i32
      %dma_start3A_50 = tpu.memref_slice %arg4[%add3A_48, %dma_start3A_49] : memref<131072x48xf32, #tpu.memory_space<hbm>> -> memref<1024x48xf32, #tpu.memory_space<hbm>>
      %dma_start3A_51 = arith.constant 0 : i32
      %dma_start3A_52 = tpu.memref_slice %arg4[%add3A_48, %dma_start3A_51] : memref<131072x48xf32, #tpu.memory_space<hbm>> -> memref<1024x48xf32, #tpu.memory_space<hbm>>
      tpu.enqueue_dma source(%arg6 : memref<1024x48xf32, #tpu.memory_space<vmem>>) target(%dma_start3A_52 : memref<1024x48xf32, #tpu.memory_space<hbm>>) target_semaphore(%run_scoped3A : memref<!tpu.dma_semaphore, #tpu.memory_space<semaphore_mem>>)
      %dma_wait3A_53 = arith.constant 0 : i32
      %dma_wait3A_54 = tpu.memref_slice %arg4[%add3A_48, %dma_wait3A_53] : memref<131072x48xf32, #tpu.memory_space<hbm>> -> memref<1024x48xf32, #tpu.memory_space<hbm>>
      %dma_wait3A_55 = arith.constant 0 : i32
      %dma_wait3A_56 = tpu.memref_slice %arg4[%add3A_48, %dma_wait3A_55] : memref<131072x48xf32, #tpu.memory_space<hbm>> -> memref<1024x48xf32, #tpu.memory_space<hbm>>
      tpu.wait_dma2 semaphore(%run_scoped3A : memref<!tpu.dma_semaphore, #tpu.memory_space<semaphore_mem>>) src(%arg6 : memref<1024x48xf32, #tpu.memory_space<vmem>>) dst(%dma_wait3A_56 : memref<1024x48xf32, #tpu.memory_space<hbm>>)
      tpu.yield
    }) : () -> ()
    return
  }
}

module attributes {stable_mosaic.version = 14 : i64} {
  func.func @_ballquery_body(%arg0: i32, %arg1: i32, %arg2: memref<1x3x128xf32, #tpu.memory_space<vmem>>, %arg3: memref<1x3x16384xf32, #tpu.memory_space<vmem>>, %arg4: memref<1x128x32xi32, #tpu.memory_space<vmem>>, %arg5: memref<128x16384xf32, #tpu.memory_space<vmem>>, %arg6: memref<128x16384xi32, #tpu.memory_space<vmem>>) attributes {dimension_semantics = [#tpu.dimension_semantics<parallel>, #tpu.dimension_semantics<parallel>], iteration_bounds = array<i64: 2, 16>, scalar_prefetch = 0 : i64, scratch_operands = 2 : i64, tpu.core_type = #tpu.core_type<tc>, window_params = [{transform_indices = @transform_0, window_bounds = array<i64: 1, 3, 128>}, {transform_indices = @transform_1, window_bounds = array<i64: 1, 3, 16384>}, {transform_indices = @transform_2, window_bounds = array<i64: 1, 128, 32>}]} {
    %get3A = arith.constant 0 : index
    %get3A_0 = arith.constant 0 : index
    %get3A_1 = arith.constant 0 : index
    %get3A_2 = vector.load %arg2[%get3A, %get3A_0, %get3A_1] : memref<1x3x128xf32, #tpu.memory_space<vmem>>, vector<1x3x128xf32>
    %get3A_3 = vector.shape_cast %get3A_2 : vector<1x3x128xf32> to vector<3x128xf32>
    %get3A_4 = arith.constant 0 : index
    %get3A_5 = arith.constant 0 : index
    %get3A_6 = arith.constant 0 : index
    %get3A_7 = vector.load %arg3[%get3A_4, %get3A_5, %get3A_6] : memref<1x3x16384xf32, #tpu.memory_space<vmem>>, vector<1x3x16384xf32>
    %get3A_8 = vector.shape_cast %get3A_7 : vector<1x3x16384xf32> to vector<3x16384xf32>
    %slice3A = vector.extract_strided_slice %get3A_3 {offsets = [0, 0], sizes = [1, 128], strides = [1, 1]} : vector<3x128xf32> to vector<1x128xf32>
    %squeeze3A = vector.shape_cast %slice3A : vector<1x128xf32> to vector<128xf32>
    %slice3A_9 = vector.extract_strided_slice %get3A_3 {offsets = [1, 0], sizes = [1, 128], strides = [1, 1]} : vector<3x128xf32> to vector<1x128xf32>
    %squeeze3A_10 = vector.shape_cast %slice3A_9 : vector<1x128xf32> to vector<128xf32>
    %slice3A_11 = vector.extract_strided_slice %get3A_3 {offsets = [2, 0], sizes = [1, 128], strides = [1, 1]} : vector<3x128xf32> to vector<1x128xf32>
    %squeeze3A_12 = vector.shape_cast %slice3A_11 : vector<1x128xf32> to vector<128xf32>
    %mul3A = arith.mulf %squeeze3A, %squeeze3A : vector<128xf32>
    %mul3A_13 = arith.mulf %squeeze3A_10, %squeeze3A_10 : vector<128xf32>
    %add3A = arith.addf %mul3A, %mul3A_13 : vector<128xf32>
    %mul3A_14 = arith.mulf %squeeze3A_12, %squeeze3A_12 : vector<128xf32>
    %add3A_15 = arith.addf %add3A, %mul3A_14 : vector<128xf32>
    %slice3A_16 = vector.extract_strided_slice %get3A_8 {offsets = [0, 0], sizes = [1, 16384], strides = [1, 1]} : vector<3x16384xf32> to vector<1x16384xf32>
    %squeeze3A_17 = vector.shape_cast %slice3A_16 : vector<1x16384xf32> to vector<16384xf32>
    %slice3A_18 = vector.extract_strided_slice %get3A_8 {offsets = [1, 0], sizes = [1, 16384], strides = [1, 1]} : vector<3x16384xf32> to vector<1x16384xf32>
    %squeeze3A_19 = vector.shape_cast %slice3A_18 : vector<1x16384xf32> to vector<16384xf32>
    %slice3A_20 = vector.extract_strided_slice %get3A_8 {offsets = [2, 0], sizes = [1, 16384], strides = [1, 1]} : vector<3x16384xf32> to vector<1x16384xf32>
    %squeeze3A_21 = vector.shape_cast %slice3A_20 : vector<1x16384xf32> to vector<16384xf32>
    %mul3A_22 = arith.mulf %squeeze3A_17, %squeeze3A_17 : vector<16384xf32>
    %mul3A_23 = arith.mulf %squeeze3A_19, %squeeze3A_19 : vector<16384xf32>
    %add3A_24 = arith.addf %mul3A_22, %mul3A_23 : vector<16384xf32>
    %mul3A_25 = arith.mulf %squeeze3A_21, %squeeze3A_21 : vector<16384xf32>
    %add3A_26 = arith.addf %add3A_24, %mul3A_25 : vector<16384xf32>
    %dot_general3A = arith.constant dense<0.000000e+00> : vector<128x16384xf32>
    %dot_general3A_27 = tpu.matmul %get3A_3, %get3A_8, %dot_general3A {dimension_numbers = #tpu.dot_dimension_numbers<[0], [0], [1], [1], [0, 1, 1, 1], [], []>, transpose_lhs_hint = false} : vector<3x128xf32>, vector<3x16384xf32>, vector<128x16384xf32> -> vector<128x16384xf32>
    %broadcast_in_dim3A = vector.shape_cast %add3A_15 : vector<128xf32> to vector<128x1xf32>
    %broadcast_in_dim3A_28 = vector.shape_cast %add3A_26 : vector<16384xf32> to vector<1x16384xf32>
    %add3A_29 = vector.broadcast %broadcast_in_dim3A : vector<128x1xf32> to vector<128x16384xf32>
    %add3A_30 = vector.broadcast %broadcast_in_dim3A_28 : vector<1x16384xf32> to vector<128x16384xf32>
    %add3A_31 = arith.addf %add3A_29, %add3A_30 : vector<128x16384xf32>
    %mul3A_32 = arith.constant 2.000000e+00 : f32
    %mul3A_33 = vector.broadcast %mul3A_32 : f32 to vector<128x16384xf32>
    %mul3A_34 = arith.mulf %mul3A_33, %dot_general3A_27 : vector<128x16384xf32>
    %sub3A = arith.subf %add3A_31, %mul3A_34 : vector<128x16384xf32>
    %max3A = arith.constant 0.000000e+00 : f32
    %max3A_35 = vector.broadcast %max3A : f32 to vector<128x16384xf32>
    %max3A_36 = arith.maximumf %sub3A, %max3A_35 : vector<128x16384xf32>
    %swap3A = arith.constant 0 : index
    %swap3A_37 = arith.constant 0 : index
    %swap3A_38 = vector.load %arg5[%swap3A, %swap3A_37] : memref<128x16384xf32, #tpu.memory_space<vmem>>, vector<128x16384xf32>
    tpu.vector_store %arg5[%swap3A, %swap3A_37], %max3A_36 {strides = array<i32>} : memref<128x16384xf32, #tpu.memory_space<vmem>>, vector<128x16384xf32>,
    %iota3A = tpu.iota {dimensions = array<i32: 1>} : vector<128x16384xi32>
    %swap3A_39 = arith.constant 0 : index
    %swap3A_40 = arith.constant 0 : index
    %swap3A_41 = vector.load %arg6[%swap3A_39, %swap3A_40] : memref<128x16384xi32, #tpu.memory_space<vmem>>, vector<128x16384xi32>
    tpu.vector_store %arg6[%swap3A_39, %swap3A_40], %iota3A {strides = array<i32>} : memref<128x16384xi32, #tpu.memory_space<vmem>>, vector<128x16384xi32>,
    %broadcast_in_dim3A_42 = arith.constant 0x7F800000 : f32
    %broadcast_in_dim3A_43 = vector.broadcast %broadcast_in_dim3A_42 : f32 to vector<128x32xf32>
    %iota3A_44 = tpu.iota {dimensions = array<i32: 1>} : vector<128x32xi32>
    %add3A_45 = arith.constant 1073741824 : i32
    %add3A_46 = vector.broadcast %add3A_45 : i32 to vector<128x32xi32>
    %add3A_47 = arith.addi %add3A_46, %iota3A_44 : vector<128x32xi32>
    %scan3A = arith.constant 0 : i32
    %scan3A_48 = arith.constant 4 : i32
    %scan3A_49 = arith.addi %scan3A, %scan3A_48 : i32
    %scan3A_50 = arith.constant 1 : i32
    %scan3A_51:2 = scf.for %scan3A_77 = %scan3A to %scan3A_49 step %scan3A_50 iter_args(%scan3A_78 = %broadcast_in_dim3A_43, %scan3A_79 = %add3A_47) -> (vector<128x32xf32>, vector<128x32xi32>)  : i32 {
      %get3A_80 = arith.constant 0 : index
      %get3A_81 = arith.constant 0 : index
      %get3A_82 = vector.load %arg5[%get3A_80, %get3A_81] : memref<128x16384xf32, #tpu.memory_space<vmem>>, vector<128x16384xf32>
      %get3A_83 = arith.constant 0 : index
      %get3A_84 = arith.constant 0 : index
      %get3A_85 = vector.load %arg6[%get3A_83, %get3A_84] : memref<128x16384xi32, #tpu.memory_space<vmem>>, vector<128x16384xi32>
      %iota3A_86 = tpu.iota {dimensions = array<i32: 1>} : vector<128x32xi32>
      %reduce_min3A = arith.constant dense<0x7F800000> : vector<128xf32>
      %reduce_min3A_87 = vector.multi_reduction <minimumf>, %get3A_82, %reduce_min3A [1] : vector<128x16384xf32> to vector<128xf32>
      %broadcast_in_dim3A_88 = vector.shape_cast %reduce_min3A_87 : vector<128xf32> to vector<128x1xf32>
      %eq3A_89 = vector.broadcast %broadcast_in_dim3A_88 : vector<128x1xf32> to vector<128x16384xf32>
      %eq3A_90 = arith.cmpf oeq, %get3A_82, %eq3A_89 : vector<128x16384xf32>
      %jit3A_91 = arith.constant 2147483647 : i32
      %broadcast_in_dim3A_92 = vector.broadcast %jit3A_91 : i32 to vector<128x16384xi32>
      %select_n3A_93 = arith.select %eq3A_90, %get3A_85, %broadcast_in_dim3A_92 : vector<128x16384xi1>, vector<128x16384xi32>
      %reduce_min3A_94 = arith.constant dense<2147483647> : vector<128xi32>
      %reduce_min3A_95 = vector.multi_reduction <minsi>, %select_n3A_93, %reduce_min3A_94 [1] : vector<128x16384xi32> to vector<128xi32>
      %broadcast_in_dim3A_96 = vector.shape_cast %reduce_min3A_95 : vector<128xi32> to vector<128x1xi32>
      %eq3A_97 = vector.broadcast %broadcast_in_dim3A_96 : vector<128x1xi32> to vector<128x16384xi32>
      %eq3A_98 = arith.cmpi eq, %get3A_85, %eq3A_97 : vector<128x16384xi32>
      %jit3A_99 = arith.constant 0x7F800000 : f32
      %broadcast_in_dim3A_100 = vector.broadcast %jit3A_99 : f32 to vector<128x16384xf32>
      %select_n3A_101 = arith.select %eq3A_98, %broadcast_in_dim3A_100, %get3A_82 : vector<128x16384xi1>, vector<128x16384xf32>
      %mul3A_102 = arith.constant 8 : i32
      %mul3A_103 = arith.muli %scan3A_77, %mul3A_102 : i32
      %add3A_104 = arith.constant 0 : i32
      %add3A_105 = arith.addi %mul3A_103, %add3A_104 : i32
      %eq3A_106 = vector.broadcast %add3A_105 : i32 to vector<128x32xi32>
      %eq3A_107 = arith.cmpi eq, %iota3A_86, %eq3A_106 : vector<128x32xi32>
      %broadcast_in_dim3A_108 = vector.shape_cast %reduce_min3A_87 : vector<128xf32> to vector<128x1xf32>
      %broadcast_in_dim3A_109 = vector.shape_cast %broadcast_in_dim3A_108 : vector<128x1xf32> to vector<128x1xf32>
      %broadcast_in_dim3A_110 = vector.broadcast %broadcast_in_dim3A_109 : vector<128x1xf32> to vector<128x32xf32>
      %select_n3A_111 = arith.select %eq3A_107, %broadcast_in_dim3A_110, %scan3A_78 : vector<128x32xi1>, vector<128x32xf32>
      %broadcast_in_dim3A_112 = vector.shape_cast %reduce_min3A_95 : vector<128xi32> to vector<128x1xi32>
      %broadcast_in_dim3A_113 = vector.shape_cast %broadcast_in_dim3A_112 : vector<128x1xi32> to vector<128x1xi32>
      %broadcast_in_dim3A_114 = vector.broadcast %broadcast_in_dim3A_113 : vector<128x1xi32> to vector<128x32xi32>
      %select_n3A_115 = arith.select %eq3A_107, %broadcast_in_dim3A_114, %scan3A_79 : vector<128x32xi1>, vector<128x32xi32>
      %reduce_min3A_116 = arith.constant dense<0x7F800000> : vector<128xf32>
      %reduce_min3A_117 = vector.multi_reduction <minimumf>, %select_n3A_101, %reduce_min3A_116 [1] : vector<128x16384xf32> to vector<128xf32>
      %broadcast_in_dim3A_118 = vector.shape_cast %reduce_min3A_117 : vector<128xf32> to vector<128x1xf32>
      %eq3A_119 = vector.broadcast %broadcast_in_dim3A_118 : vector<128x1xf32> to vector<128x16384xf32>
      %eq3A_120 = arith.cmpf oeq, %select_n3A_101, %eq3A_119 : vector<128x16384xf32>
      %jit3A_121 = arith.constant 2147483647 : i32
      %broadcast_in_dim3A_122 = vector.broadcast %jit3A_121 : i32 to vector<128x16384xi32>
      %select_n3A_123 = arith.select %eq3A_120, %get3A_85, %broadcast_in_dim3A_122 : vector<128x16384xi1>, vector<128x16384xi32>
      %reduce_min3A_124 = arith.constant dense<2147483647> : vector<128xi32>
      %reduce_min3A_125 = vector.multi_reduction <minsi>, %select_n3A_123, %reduce_min3A_124 [1] : vector<128x16384xi32> to vector<128xi32>
      %broadcast_in_dim3A_126 = vector.shape_cast %reduce_min3A_125 : vector<128xi32> to vector<128x1xi32>
      %eq3A_127 = vector.broadcast %broadcast_in_dim3A_126 : vector<128x1xi32> to vector<128x16384xi32>
      %eq3A_128 = arith.cmpi eq, %get3A_85, %eq3A_127 : vector<128x16384xi32>
      %jit3A_129 = arith.constant 0x7F800000 : f32
      %broadcast_in_dim3A_130 = vector.broadcast %jit3A_129 : f32 to vector<128x16384xf32>
      %select_n3A_131 = arith.select %eq3A_128, %broadcast_in_dim3A_130, %select_n3A_101 : vector<128x16384xi1>, vector<128x16384xf32>
      %mul3A_132 = arith.constant 8 : i32
      %mul3A_133 = arith.muli %scan3A_77, %mul3A_132 : i32
      %add3A_134 = arith.constant 1 : i32
      %add3A_135 = arith.addi %mul3A_133, %add3A_134 : i32
      %eq3A_136 = vector.broadcast %add3A_135 : i32 to vector<128x32xi32>
      %eq3A_137 = arith.cmpi eq, %iota3A_86, %eq3A_136 : vector<128x32xi32>
      %broadcast_in_dim3A_138 = vector.shape_cast %reduce_min3A_117 : vector<128xf32> to vector<128x1xf32>
      %broadcast_in_dim3A_139 = vector.shape_cast %broadcast_in_dim3A_138 : vector<128x1xf32> to vector<128x1xf32>
      %broadcast_in_dim3A_140 = vector.broadcast %broadcast_in_dim3A_139 : vector<128x1xf32> to vector<128x32xf32>
      %select_n3A_141 = arith.select %eq3A_137, %broadcast_in_dim3A_140, %select_n3A_111 : vector<128x32xi1>, vector<128x32xf32>
      %broadcast_in_dim3A_142 = vector.shape_cast %reduce_min3A_125 : vector<128xi32> to vector<128x1xi32>
      %broadcast_in_dim3A_143 = vector.shape_cast %broadcast_in_dim3A_142 : vector<128x1xi32> to vector<128x1xi32>
      %broadcast_in_dim3A_144 = vector.broadcast %broadcast_in_dim3A_143 : vector<128x1xi32> to vector<128x32xi32>
      %select_n3A_145 = arith.select %eq3A_137, %broadcast_in_dim3A_144, %select_n3A_115 : vector<128x32xi1>, vector<128x32xi32>
      %reduce_min3A_146 = arith.constant dense<0x7F800000> : vector<128xf32>
      %reduce_min3A_147 = vector.multi_reduction <minimumf>, %select_n3A_131, %reduce_min3A_146 [1] : vector<128x16384xf32> to vector<128xf32>
      %broadcast_in_dim3A_148 = vector.shape_cast %reduce_min3A_147 : vector<128xf32> to vector<128x1xf32>
      %eq3A_149 = vector.broadcast %broadcast_in_dim3A_148 : vector<128x1xf32> to vector<128x16384xf32>
      %eq3A_150 = arith.cmpf oeq, %select_n3A_131, %eq3A_149 : vector<128x16384xf32>
      %jit3A_151 = arith.constant 2147483647 : i32
      %broadcast_in_dim3A_152 = vector.broadcast %jit3A_151 : i32 to vector<128x16384xi32>
      %select_n3A_153 = arith.select %eq3A_150, %get3A_85, %broadcast_in_dim3A_152 : vector<128x16384xi1>, vector<128x16384xi32>
      %reduce_min3A_154 = arith.constant dense<2147483647> : vector<128xi32>
      %reduce_min3A_155 = vector.multi_reduction <minsi>, %select_n3A_153, %reduce_min3A_154 [1] : vector<128x16384xi32> to vector<128xi32>
      %broadcast_in_dim3A_156 = vector.shape_cast %reduce_min3A_155 : vector<128xi32> to vector<128x1xi32>
      %eq3A_157 = vector.broadcast %broadcast_in_dim3A_156 : vector<128x1xi32> to vector<128x16384xi32>
      %eq3A_158 = arith.cmpi eq, %get3A_85, %eq3A_157 : vector<128x16384xi32>
      %jit3A_159 = arith.constant 0x7F800000 : f32
      %broadcast_in_dim3A_160 = vector.broadcast %jit3A_159 : f32 to vector<128x16384xf32>
      %select_n3A_161 = arith.select %eq3A_158, %broadcast_in_dim3A_160, %select_n3A_131 : vector<128x16384xi1>, vector<128x16384xf32>
      %mul3A_162 = arith.constant 8 : i32
      %mul3A_163 = arith.muli %scan3A_77, %mul3A_162 : i32
      %add3A_164 = arith.constant 2 : i32
      %add3A_165 = arith.addi %mul3A_163, %add3A_164 : i32
      %eq3A_166 = vector.broadcast %add3A_165 : i32 to vector<128x32xi32>
      %eq3A_167 = arith.cmpi eq, %iota3A_86, %eq3A_166 : vector<128x32xi32>
      %broadcast_in_dim3A_168 = vector.shape_cast %reduce_min3A_147 : vector<128xf32> to vector<128x1xf32>
      %broadcast_in_dim3A_169 = vector.shape_cast %broadcast_in_dim3A_168 : vector<128x1xf32> to vector<128x1xf32>
      %broadcast_in_dim3A_170 = vector.broadcast %broadcast_in_dim3A_169 : vector<128x1xf32> to vector<128x32xf32>
      %select_n3A_171 = arith.select %eq3A_167, %broadcast_in_dim3A_170, %select_n3A_141 : vector<128x32xi1>, vector<128x32xf32>
      %broadcast_in_dim3A_172 = vector.shape_cast %reduce_min3A_155 : vector<128xi32> to vector<128x1xi32>
      %broadcast_in_dim3A_173 = vector.shape_cast %broadcast_in_dim3A_172 : vector<128x1xi32> to vector<128x1xi32>
      %broadcast_in_dim3A_174 = vector.broadcast %broadcast_in_dim3A_173 : vector<128x1xi32> to vector<128x32xi32>
      %select_n3A_175 = arith.select %eq3A_167, %broadcast_in_dim3A_174, %select_n3A_145 : vector<128x32xi1>, vector<128x32xi32>
      %reduce_min3A_176 = arith.constant dense<0x7F800000> : vector<128xf32>
      %reduce_min3A_177 = vector.multi_reduction <minimumf>, %select_n3A_161, %reduce_min3A_176 [1] : vector<128x16384xf32> to vector<128xf32>
      %broadcast_in_dim3A_178 = vector.shape_cast %reduce_min3A_177 : vector<128xf32> to vector<128x1xf32>
      %eq3A_179 = vector.broadcast %broadcast_in_dim3A_178 : vector<128x1xf32> to vector<128x16384xf32>
      %eq3A_180 = arith.cmpf oeq, %select_n3A_161, %eq3A_179 : vector<128x16384xf32>
      %jit3A_181 = arith.constant 2147483647 : i32
      %broadcast_in_dim3A_182 = vector.broadcast %jit3A_181 : i32 to vector<128x16384xi32>
      %select_n3A_183 = arith.select %eq3A_180, %get3A_85, %broadcast_in_dim3A_182 : vector<128x16384xi1>, vector<128x16384xi32>
      %reduce_min3A_184 = arith.constant dense<2147483647> : vector<128xi32>
      %reduce_min3A_185 = vector.multi_reduction <minsi>, %select_n3A_183, %reduce_min3A_184 [1] : vector<128x16384xi32> to vector<128xi32>
      %broadcast_in_dim3A_186 = vector.shape_cast %reduce_min3A_185 : vector<128xi32> to vector<128x1xi32>
      %eq3A_187 = vector.broadcast %broadcast_in_dim3A_186 : vector<128x1xi32> to vector<128x16384xi32>
      %eq3A_188 = arith.cmpi eq, %get3A_85, %eq3A_187 : vector<128x16384xi32>
      %jit3A_189 = arith.constant 0x7F800000 : f32
      %broadcast_in_dim3A_190 = vector.broadcast %jit3A_189 : f32 to vector<128x16384xf32>
      %select_n3A_191 = arith.select %eq3A_188, %broadcast_in_dim3A_190, %select_n3A_161 : vector<128x16384xi1>, vector<128x16384xf32>
      %mul3A_192 = arith.constant 8 : i32
      %mul3A_193 = arith.muli %scan3A_77, %mul3A_192 : i32
      %add3A_194 = arith.constant 3 : i32
      %add3A_195 = arith.addi %mul3A_193, %add3A_194 : i32
      %eq3A_196 = vector.broadcast %add3A_195 : i32 to vector<128x32xi32>
      %eq3A_197 = arith.cmpi eq, %iota3A_86, %eq3A_196 : vector<128x32xi32>
      %broadcast_in_dim3A_198 = vector.shape_cast %reduce_min3A_177 : vector<128xf32> to vector<128x1xf32>
      %broadcast_in_dim3A_199 = vector.shape_cast %broadcast_in_dim3A_198 : vector<128x1xf32> to vector<128x1xf32>
      %broadcast_in_dim3A_200 = vector.broadcast %broadcast_in_dim3A_199 : vector<128x1xf32> to vector<128x32xf32>
      %select_n3A_201 = arith.select %eq3A_197, %broadcast_in_dim3A_200, %select_n3A_171 : vector<128x32xi1>, vector<128x32xf32>
      %broadcast_in_dim3A_202 = vector.shape_cast %reduce_min3A_185 : vector<128xi32> to vector<128x1xi32>
      %broadcast_in_dim3A_203 = vector.shape_cast %broadcast_in_dim3A_202 : vector<128x1xi32> to vector<128x1xi32>
      %broadcast_in_dim3A_204 = vector.broadcast %broadcast_in_dim3A_203 : vector<128x1xi32> to vector<128x32xi32>
      %select_n3A_205 = arith.select %eq3A_197, %broadcast_in_dim3A_204, %select_n3A_175 : vector<128x32xi1>, vector<128x32xi32>
      %reduce_min3A_206 = arith.constant dense<0x7F800000> : vector<128xf32>
      %reduce_min3A_207 = vector.multi_reduction <minimumf>, %select_n3A_191, %reduce_min3A_206 [1] : vector<128x16384xf32> to vector<128xf32>
      %broadcast_in_dim3A_208 = vector.shape_cast %reduce_min3A_207 : vector<128xf32> to vector<128x1xf32>
      %eq3A_209 = vector.broadcast %broadcast_in_dim3A_208 : vector<128x1xf32> to vector<128x16384xf32>
      %eq3A_210 = arith.cmpf oeq, %select_n3A_191, %eq3A_209 : vector<128x16384xf32>
      %jit3A_211 = arith.constant 2147483647 : i32
      %broadcast_in_dim3A_212 = vector.broadcast %jit3A_211 : i32 to vector<128x16384xi32>
      %select_n3A_213 = arith.select %eq3A_210, %get3A_85, %broadcast_in_dim3A_212 : vector<128x16384xi1>, vector<128x16384xi32>
      %reduce_min3A_214 = arith.constant dense<2147483647> : vector<128xi32>
      %reduce_min3A_215 = vector.multi_reduction <minsi>, %select_n3A_213, %reduce_min3A_214 [1] : vector<128x16384xi32> to vector<128xi32>
      %broadcast_in_dim3A_216 = vector.shape_cast %reduce_min3A_215 : vector<128xi32> to vector<128x1xi32>
      %eq3A_217 = vector.broadcast %broadcast_in_dim3A_216 : vector<128x1xi32> to vector<128x16384xi32>
      %eq3A_218 = arith.cmpi eq, %get3A_85, %eq3A_217 : vector<128x16384xi32>
      %jit3A_219 = arith.constant 0x7F800000 : f32
      %broadcast_in_dim3A_220 = vector.broadcast %jit3A_219 : f32 to vector<128x16384xf32>
      %select_n3A_221 = arith.select %eq3A_218, %broadcast_in_dim3A_220, %select_n3A_191 : vector<128x16384xi1>, vector<128x16384xf32>
      %mul3A_222 = arith.constant 8 : i32
      %mul3A_223 = arith.muli %scan3A_77, %mul3A_222 : i32
      %add3A_224 = arith.constant 4 : i32
      %add3A_225 = arith.addi %mul3A_223, %add3A_224 : i32
      %eq3A_226 = vector.broadcast %add3A_225 : i32 to vector<128x32xi32>
      %eq3A_227 = arith.cmpi eq, %iota3A_86, %eq3A_226 : vector<128x32xi32>
      %broadcast_in_dim3A_228 = vector.shape_cast %reduce_min3A_207 : vector<128xf32> to vector<128x1xf32>
      %broadcast_in_dim3A_229 = vector.shape_cast %broadcast_in_dim3A_228 : vector<128x1xf32> to vector<128x1xf32>
      %broadcast_in_dim3A_230 = vector.broadcast %broadcast_in_dim3A_229 : vector<128x1xf32> to vector<128x32xf32>
      %select_n3A_231 = arith.select %eq3A_227, %broadcast_in_dim3A_230, %select_n3A_201 : vector<128x32xi1>, vector<128x32xf32>
      %broadcast_in_dim3A_232 = vector.shape_cast %reduce_min3A_215 : vector<128xi32> to vector<128x1xi32>
      %broadcast_in_dim3A_233 = vector.shape_cast %broadcast_in_dim3A_232 : vector<128x1xi32> to vector<128x1xi32>
      %broadcast_in_dim3A_234 = vector.broadcast %broadcast_in_dim3A_233 : vector<128x1xi32> to vector<128x32xi32>
      %select_n3A_235 = arith.select %eq3A_227, %broadcast_in_dim3A_234, %select_n3A_205 : vector<128x32xi1>, vector<128x32xi32>
      %reduce_min3A_236 = arith.constant dense<0x7F800000> : vector<128xf32>
      %reduce_min3A_237 = vector.multi_reduction <minimumf>, %select_n3A_221, %reduce_min3A_236 [1] : vector<128x16384xf32> to vector<128xf32>
      %broadcast_in_dim3A_238 = vector.shape_cast %reduce_min3A_237 : vector<128xf32> to vector<128x1xf32>
      %eq3A_239 = vector.broadcast %broadcast_in_dim3A_238 : vector<128x1xf32> to vector<128x16384xf32>
      %eq3A_240 = arith.cmpf oeq, %select_n3A_221, %eq3A_239 : vector<128x16384xf32>
      %jit3A_241 = arith.constant 2147483647 : i32
      %broadcast_in_dim3A_242 = vector.broadcast %jit3A_241 : i32 to vector<128x16384xi32>
      %select_n3A_243 = arith.select %eq3A_240, %get3A_85, %broadcast_in_dim3A_242 : vector<128x16384xi1>, vector<128x16384xi32>
      %reduce_min3A_244 = arith.constant dense<2147483647> : vector<128xi32>
      %reduce_min3A_245 = vector.multi_reduction <minsi>, %select_n3A_243, %reduce_min3A_244 [1] : vector<128x16384xi32> to vector<128xi32>
      %broadcast_in_dim3A_246 = vector.shape_cast %reduce_min3A_245 : vector<128xi32> to vector<128x1xi32>
      %eq3A_247 = vector.broadcast %broadcast_in_dim3A_246 : vector<128x1xi32> to vector<128x16384xi32>
      %eq3A_248 = arith.cmpi eq, %get3A_85, %eq3A_247 : vector<128x16384xi32>
      %jit3A_249 = arith.constant 0x7F800000 : f32
      %broadcast_in_dim3A_250 = vector.broadcast %jit3A_249 : f32 to vector<128x16384xf32>
      %select_n3A_251 = arith.select %eq3A_248, %broadcast_in_dim3A_250, %select_n3A_221 : vector<128x16384xi1>, vector<128x16384xf32>
      %mul3A_252 = arith.constant 8 : i32
      %mul3A_253 = arith.muli %scan3A_77, %mul3A_252 : i32
      %add3A_254 = arith.constant 5 : i32
      %add3A_255 = arith.addi %mul3A_253, %add3A_254 : i32
      %eq3A_256 = vector.broadcast %add3A_255 : i32 to vector<128x32xi32>
      %eq3A_257 = arith.cmpi eq, %iota3A_86, %eq3A_256 : vector<128x32xi32>
      %broadcast_in_dim3A_258 = vector.shape_cast %reduce_min3A_237 : vector<128xf32> to vector<128x1xf32>
      %broadcast_in_dim3A_259 = vector.shape_cast %broadcast_in_dim3A_258 : vector<128x1xf32> to vector<128x1xf32>
      %broadcast_in_dim3A_260 = vector.broadcast %broadcast_in_dim3A_259 : vector<128x1xf32> to vector<128x32xf32>
      %select_n3A_261 = arith.select %eq3A_257, %broadcast_in_dim3A_260, %select_n3A_231 : vector<128x32xi1>, vector<128x32xf32>
      %broadcast_in_dim3A_262 = vector.shape_cast %reduce_min3A_245 : vector<128xi32> to vector<128x1xi32>
      %broadcast_in_dim3A_263 = vector.shape_cast %broadcast_in_dim3A_262 : vector<128x1xi32> to vector<128x1xi32>
      %broadcast_in_dim3A_264 = vector.broadcast %broadcast_in_dim3A_263 : vector<128x1xi32> to vector<128x32xi32>
      %select_n3A_265 = arith.select %eq3A_257, %broadcast_in_dim3A_264, %select_n3A_235 : vector<128x32xi1>, vector<128x32xi32>
      %reduce_min3A_266 = arith.constant dense<0x7F800000> : vector<128xf32>
      %reduce_min3A_267 = vector.multi_reduction <minimumf>, %select_n3A_251, %reduce_min3A_266 [1] : vector<128x16384xf32> to vector<128xf32>
      %broadcast_in_dim3A_268 = vector.shape_cast %reduce_min3A_267 : vector<128xf32> to vector<128x1xf32>
      %eq3A_269 = vector.broadcast %broadcast_in_dim3A_268 : vector<128x1xf32> to vector<128x16384xf32>
      %eq3A_270 = arith.cmpf oeq, %select_n3A_251, %eq3A_269 : vector<128x16384xf32>
      %jit3A_271 = arith.constant 2147483647 : i32
      %broadcast_in_dim3A_272 = vector.broadcast %jit3A_271 : i32 to vector<128x16384xi32>
      %select_n3A_273 = arith.select %eq3A_270, %get3A_85, %broadcast_in_dim3A_272 : vector<128x16384xi1>, vector<128x16384xi32>
      %reduce_min3A_274 = arith.constant dense<2147483647> : vector<128xi32>
      %reduce_min3A_275 = vector.multi_reduction <minsi>, %select_n3A_273, %reduce_min3A_274 [1] : vector<128x16384xi32> to vector<128xi32>
      %broadcast_in_dim3A_276 = vector.shape_cast %reduce_min3A_275 : vector<128xi32> to vector<128x1xi32>
      %eq3A_277 = vector.broadcast %broadcast_in_dim3A_276 : vector<128x1xi32> to vector<128x16384xi32>
      %eq3A_278 = arith.cmpi eq, %get3A_85, %eq3A_277 : vector<128x16384xi32>
      %jit3A_279 = arith.constant 0x7F800000 : f32
      %broadcast_in_dim3A_280 = vector.broadcast %jit3A_279 : f32 to vector<128x16384xf32>
      %select_n3A_281 = arith.select %eq3A_278, %broadcast_in_dim3A_280, %select_n3A_251 : vector<128x16384xi1>, vector<128x16384xf32>
      %mul3A_282 = arith.constant 8 : i32
      %mul3A_283 = arith.muli %scan3A_77, %mul3A_282 : i32
      %add3A_284 = arith.constant 6 : i32
      %add3A_285 = arith.addi %mul3A_283, %add3A_284 : i32
      %eq3A_286 = vector.broadcast %add3A_285 : i32 to vector<128x32xi32>
      %eq3A_287 = arith.cmpi eq, %iota3A_86, %eq3A_286 : vector<128x32xi32>
      %broadcast_in_dim3A_288 = vector.shape_cast %reduce_min3A_267 : vector<128xf32> to vector<128x1xf32>
      %broadcast_in_dim3A_289 = vector.shape_cast %broadcast_in_dim3A_288 : vector<128x1xf32> to vector<128x1xf32>
      %broadcast_in_dim3A_290 = vector.broadcast %broadcast_in_dim3A_289 : vector<128x1xf32> to vector<128x32xf32>
      %select_n3A_291 = arith.select %eq3A_287, %broadcast_in_dim3A_290, %select_n3A_261 : vector<128x32xi1>, vector<128x32xf32>
      %broadcast_in_dim3A_292 = vector.shape_cast %reduce_min3A_275 : vector<128xi32> to vector<128x1xi32>
      %broadcast_in_dim3A_293 = vector.shape_cast %broadcast_in_dim3A_292 : vector<128x1xi32> to vector<128x1xi32>
      %broadcast_in_dim3A_294 = vector.broadcast %broadcast_in_dim3A_293 : vector<128x1xi32> to vector<128x32xi32>
      %select_n3A_295 = arith.select %eq3A_287, %broadcast_in_dim3A_294, %select_n3A_265 : vector<128x32xi1>, vector<128x32xi32>
      %reduce_min3A_296 = arith.constant dense<0x7F800000> : vector<128xf32>
      %reduce_min3A_297 = vector.multi_reduction <minimumf>, %select_n3A_281, %reduce_min3A_296 [1] : vector<128x16384xf32> to vector<128xf32>
      %broadcast_in_dim3A_298 = vector.shape_cast %reduce_min3A_297 : vector<128xf32> to vector<128x1xf32>
      %eq3A_299 = vector.broadcast %broadcast_in_dim3A_298 : vector<128x1xf32> to vector<128x16384xf32>
      %eq3A_300 = arith.cmpf oeq, %select_n3A_281, %eq3A_299 : vector<128x16384xf32>
      %jit3A_301 = arith.constant 2147483647 : i32
      %broadcast_in_dim3A_302 = vector.broadcast %jit3A_301 : i32 to vector<128x16384xi32>
      %select_n3A_303 = arith.select %eq3A_300, %get3A_85, %broadcast_in_dim3A_302 : vector<128x16384xi1>, vector<128x16384xi32>
      %reduce_min3A_304 = arith.constant dense<2147483647> : vector<128xi32>
      %reduce_min3A_305 = vector.multi_reduction <minsi>, %select_n3A_303, %reduce_min3A_304 [1] : vector<128x16384xi32> to vector<128xi32>
      %broadcast_in_dim3A_306 = vector.shape_cast %reduce_min3A_305 : vector<128xi32> to vector<128x1xi32>
      %eq3A_307 = vector.broadcast %broadcast_in_dim3A_306 : vector<128x1xi32> to vector<128x16384xi32>
      %eq3A_308 = arith.cmpi eq, %get3A_85, %eq3A_307 : vector<128x16384xi32>
      %jit3A_309 = arith.constant 0x7F800000 : f32
      %broadcast_in_dim3A_310 = vector.broadcast %jit3A_309 : f32 to vector<128x16384xf32>
      %select_n3A_311 = arith.select %eq3A_308, %broadcast_in_dim3A_310, %select_n3A_281 : vector<128x16384xi1>, vector<128x16384xf32>
      %mul3A_312 = arith.constant 8 : i32
      %mul3A_313 = arith.muli %scan3A_77, %mul3A_312 : i32
      %add3A_314 = arith.constant 7 : i32
      %add3A_315 = arith.addi %mul3A_313, %add3A_314 : i32
      %eq3A_316 = vector.broadcast %add3A_315 : i32 to vector<128x32xi32>
      %eq3A_317 = arith.cmpi eq, %iota3A_86, %eq3A_316 : vector<128x32xi32>
      %broadcast_in_dim3A_318 = vector.shape_cast %reduce_min3A_297 : vector<128xf32> to vector<128x1xf32>
      %broadcast_in_dim3A_319 = vector.shape_cast %broadcast_in_dim3A_318 : vector<128x1xf32> to vector<128x1xf32>
      %broadcast_in_dim3A_320 = vector.broadcast %broadcast_in_dim3A_319 : vector<128x1xf32> to vector<128x32xf32>
      %select_n3A_321 = arith.select %eq3A_317, %broadcast_in_dim3A_320, %select_n3A_291 : vector<128x32xi1>, vector<128x32xf32>
      %broadcast_in_dim3A_322 = vector.shape_cast %reduce_min3A_305 : vector<128xi32> to vector<128x1xi32>
      %broadcast_in_dim3A_323 = vector.shape_cast %broadcast_in_dim3A_322 : vector<128x1xi32> to vector<128x1xi32>
      %broadcast_in_dim3A_324 = vector.broadcast %broadcast_in_dim3A_323 : vector<128x1xi32> to vector<128x32xi32>
      %select_n3A_325 = arith.select %eq3A_317, %broadcast_in_dim3A_324, %select_n3A_295 : vector<128x32xi1>, vector<128x32xi32>
      %swap3A_326 = arith.constant 0 : index
      %swap3A_327 = arith.constant 0 : index
      %swap3A_328 = vector.load %arg5[%swap3A_326, %swap3A_327] : memref<128x16384xf32, #tpu.memory_space<vmem>>, vector<128x16384xf32>
      tpu.vector_store %arg5[%swap3A_326, %swap3A_327], %select_n3A_311 {strides = array<i32>} : memref<128x16384xf32, #tpu.memory_space<vmem>>, vector<128x16384xf32>,
      scf.yield %select_n3A_321, %select_n3A_325 : vector<128x32xf32>, vector<128x32xi32>
    }
    %scan3A_52 = arith.constant 4 : i32
    %le3A = arith.constant 4.000000e-02 : f32
    %le3A_53 = vector.broadcast %le3A : f32 to vector<128x32xf32>
    %le3A_54 = arith.cmpf ole, %scan3A_51#0, %le3A_53 : vector<128x32xf32>
    %iota3A_55 = tpu.iota {dimensions = array<i32: 1>} : vector<128x32xi32>
    %jit3A = arith.constant -1 : i32
    %broadcast_in_dim3A_56 = vector.broadcast %jit3A : i32 to vector<128x32xi32>
    %select_n3A = arith.select %le3A_54, %iota3A_55, %broadcast_in_dim3A_56 : vector<128x32xi1>, vector<128x32xi32>
    %reduce_max3A = arith.constant dense<-2147483648> : vector<128xi32>
    %reduce_max3A_57 = vector.multi_reduction <maxsi>, %select_n3A, %reduce_max3A [1] : vector<128x32xi32> to vector<128xi32>
    %max3A_58 = arith.constant 0 : i32
    %max3A_59 = vector.broadcast %max3A_58 : i32 to vector<128xi32>
    %max3A_60 = arith.maxsi %reduce_max3A_57, %max3A_59 : vector<128xi32>
    %broadcast_in_dim3A_61 = vector.shape_cast %max3A_60 : vector<128xi32> to vector<128x1xi32>
    %eq3A = vector.broadcast %broadcast_in_dim3A_61 : vector<128x1xi32> to vector<128x32xi32>
    %eq3A_62 = arith.cmpi eq, %iota3A_55, %eq3A : vector<128x32xi32>
    %jit3A_63 = arith.constant 0 : i32
    %broadcast_in_dim3A_64 = vector.broadcast %jit3A_63 : i32 to vector<128x32xi32>
    %select_n3A_65 = arith.select %eq3A_62, %scan3A_51#1, %broadcast_in_dim3A_64 : vector<128x32xi1>, vector<128x32xi32>
    %reduce_sum3A = arith.constant dense<0> : vector<128xi32>
    %reduce_sum3A_66 = vector.multi_reduction <add>, %select_n3A_65, %reduce_sum3A [1] : vector<128x32xi32> to vector<128xi32>
    %broadcast_in_dim3A_67 = vector.shape_cast %reduce_sum3A_66 : vector<128xi32> to vector<128x1xi32>
    %broadcast_in_dim3A_68 = vector.shape_cast %broadcast_in_dim3A_67 : vector<128x1xi32> to vector<128x1xi32>
    %broadcast_in_dim3A_69 = vector.broadcast %broadcast_in_dim3A_68 : vector<128x1xi32> to vector<128x32xi32>
    %select_n3A_70 = arith.select %le3A_54, %scan3A_51#1, %broadcast_in_dim3A_69 : vector<128x32xi1>, vector<128x32xi32>
    %swap3A_71 = arith.constant 0 : index
    %swap3A_72 = arith.constant 0 : index
    %swap3A_73 = arith.constant 0 : index
    %swap3A_74 = vector.load %arg4[%swap3A_71, %swap3A_72, %swap3A_73] : memref<1x128x32xi32, #tpu.memory_space<vmem>>, vector<1x128x32xi32>
    %swap3A_75 = vector.shape_cast %swap3A_74 : vector<1x128x32xi32> to vector<128x32xi32>
    %swap3A_76 = vector.shape_cast %select_n3A_70 : vector<128x32xi32> to vector<1x128x32xi32>
    tpu.vector_store %arg4[%swap3A_71, %swap3A_72, %swap3A_73], %swap3A_76 {strides = array<i32>} : memref<1x128x32xi32, #tpu.memory_space<vmem>>, vector<1x128x32xi32>,
    return
  }
  func.func @transform_0(%arg0: i32, %arg1: i32) -> (i32, i32, i32) {
    %c0_i32 = arith.constant 0 : i32
    %c0_i32_0 = arith.constant 0 : i32
    return %arg0, %c0_i32, %arg1 : i32, i32, i32
  }
  func.func @transform_1(%arg0: i32, %arg1: i32) -> (i32, i32, i32) {
    %c0_i32 = arith.constant 0 : i32
    %c0_i32_0 = arith.constant 0 : i32
    %c0_i32_1 = arith.constant 0 : i32
    return %arg0, %c0_i32, %c0_i32_0 : i32, i32, i32
  }
  func.func @transform_2(%arg0: i32, %arg1: i32) -> (i32, i32, i32) {
    %c0_i32 = arith.constant 0 : i32
    %c0_i32_0 = arith.constant 0 : i32
    return %arg0, %arg1, %c0_i32 : i32, i32, i32
  }
}

</mosaic_0001>

<sc_bundles>
// kernel: kernel.4.cloned.1.call-start
scs
__scs_entry_jumppad:
0x0: {  	(pc) =	sbr.rel $0x88, $3  }
0x1: {  	(tag) =	ssettag $0x0;
	lr =	simm.s32 $0x1  }
0x2: {  	[smem:$0x3F9E] =	sst lr;
	_ =	strace $0xD0000000  }
0x3: {  	_ = 	snop  }
0x4: {  	_ = 	snop  }
0x5: {  	_ = 	snop  }
0x6: {  	_ = 	snop  }
0x7: {  	_ = 	snop  }
__scs_overlays_trampoline_lowered:
0x8: {  	[smem:$0x3FAD] =	sst s0  }
0x9: {  	[smem:$0x3FAE] =	sst s1  }
0xa: {  	[smem:$0x3FAF] =	sst s2  }
0xb: {  	[smem:$0x3FB0] =	sst s3  }
0xc: {  	[smem:$0x3FB1] =	sst s4  }
0xd: {  	[smem:$0x3FB2] =	sst s5  }
0xe: {  	[smem:$0x3FB3] =	sst s6  }
0xf: {  	[smem:$0x3FB4] =	sst s7  }
0x10: {  	[smem:$0x3FB5] =	sst s8  }
0x11: {  	[smem:$0x3FB6] =	sst s9;
	s0 =	simm.s32 @!p0 $0x0  }
0x12: {  	s1 =	sld [smem:$0x3F9C];
	s0 =	simm.s32 @p0 $0x1  }
0x13: {  	[smem:$0x3FB7] =	sst s0;
	s0 =	simm.s32 @!p1 $0x0  }
0x14: {  	s2 =	sld [smem:$0x3F9B];
	s0 =	simm.s32 @p1 $0x1  }
0x15: {  	[smem:$0x3FB8] =	sst s0;
	s0 =	simm.s32 @!p2 $0x0  }
0x16: {  	s3 =	sld [smem:$0x3FDB];
	s0 =	simm.s32 @p2 $0x1  }
0x17: {  	s4 =	simm.s32 $0x1BF5;
	[smem:$0x3FBA] =	sst s0  }
0x18: {  	s0 =	sld [smem:$0x3F9D];
	_ =	swait.ge [sflag:s4], $0x0  }
0x19: {  	s7 =	sld [smem:$0x3F9E]  }
0x1a: {  	s8 =	sadd.s32 $0xFFFFE003, lr  }
0x1b: {  	s9 =	sadd.s32 $0xFFFFFEF7, lr;
	s5 =	simm.s32 $0xFFFFFFFF;
	p2 =	slt.u32 s8, $0xFFFFF086  }
0x1c: {  	p1 =	slt.u32 s9, $0xF7A;
	s5 =	simm.s32 @!p2 $0x0  }
0x1d: {  	s5 =	simm.s32 @p1 $0x1;
	p0 =	seq.s32 s7, s2  }
0x1e: {  	s7 =	smul.u32 @!p0 $0xF7A, s2;
	p2 =	seq.s32 @!p0 s5, $0x0  }
0x1f: {  	s9 =	smul.u32 $0xF7A, s1;
	s8 =	simm.s32 @!p0 $0x1BF5;
	p2 =	por !p2, p0  }
0x20: {  	[sflag:s8] =	ssyncset.s32 @!p0 $0xFFFFF086;
	s6 =	sadd.s32 @!p0 s3, s7;
	s7 =	simm.s32 @!p0 $0x108  }
0x21: {  	s3 =	sadd.s32 s3, s9;
	s6 =	sadd.s32 @!p0 $0x88, s6;
	s7 =	simm.s32 @p2 $0x1082  }
0x22: {  	[simem:s7], [sflag:s8] =	dma.local @!p0 [hbm:s6], $0xF7A  }
0x23: {  	s9 =	sor.u32 $0xD0000000, s2;
	s6 =	simm.s32 $0x108;
	_ =	swait.ge @!p0 [sflag:s8], $0x0  }
0x24: {  	s3 =	sadd.s32 $0x88, s3;
	s6 =	simm.s32 @!p1 $0x1082;
	[sflag:s4] =	ssyncset.s32 $0xFFFFF086  }
0x25: {  	[simem:s6], [sflag:s4] =	dma.local [hbm:s3], $0xF7A  }
0x26: {  	[smem:$0x3F9E] =	sst s1;
	(tag) =	ssettag s2;
	_ =	strace s9  }
0x27: {  	s1 =	sld [smem:$0x3FAE]  }
0x28: {  	s2 =	sld [smem:$0x3FAF]  }
0x29: {  	s4 =	sld [smem:$0x3FB1]  }
0x2a: {  	p0 =	seq.s32 s5, $0x0;
	s5 =	sld [smem:$0x3FB2]  }
0x2b: {  	s6 =	sld [smem:$0x3FB3]  }
0x2c: {  	s7 =	sld [smem:$0x3FB4]  }
0x2d: {  	s3 =	simm.s32 $0x108;
	s8 =	sld [smem:$0x3FB5]  }
0x2e: {  	s3 =	simm.s32 @!p0 $0x1082;
	s9 =	sld [smem:$0x3FB6]  }
0x2f: {  	lr =	sadd.s32 s0, s3;
	s0 =	sld [smem:$0x3FAD]  }
0x30: {  	s3 =	sld [smem:$0x3FB0]  }
0x31: {  	[smem:$0x3FB9] =	sst s10  }
0x32: {  	s10 =	sld [smem:$0x3FB7];
	_ =	sdelay $0x3  }
0x33: {  	p0 =	seq.s32 s10, $0x1;
	s10 =	sld [smem:$0x3FB9];
	_ =	sdelay $0x3  }
0x34: {  	[smem:$0x3FB9] =	sst s10  }
0x35: {  	s10 =	sld [smem:$0x3FB8];
	_ =	sdelay $0x3  }
0x36: {  	p1 =	seq.s32 s10, $0x1;
	s10 =	sld [smem:$0x3FB9];
	_ =	sdelay $0x3  }
0x37: {  	[smem:$0x3FB9] =	sst s10  }
0x38: {  	s10 =	sld [smem:$0x3FBA]  }
0x39: {  	_ = 	snop;
	(pc) =	sbr.ind lr, $3  }
0x3a: {  	_ = 	snop  }
0x3b: {  	_ = 	snop  }
0x3c: {  	p2 =	seq.s32 s10, $0x1;
	s10 =	sld [smem:$0x3FB9]  }
0x3d: {  	_ =	shalt  }
0x3e: {  	_ =	shalt  }
0x3f: {  	_ =	shalt  }
0x40: {  	_ =	shalt  }
0x41: {  	_ =	shalt  }
0x42: {  	_ =	shalt  }
0x43: {  	_ =	shalt  }
0x44: {  	_ =	shalt  }
0x45: {  	_ =	shalt  }
0x46: {  	_ =	shalt  }
0x47: {  	_ =	shalt  }
0x48: {  	_ =	shalt  }
0x49: {  	_ =	shalt  }
0x4a: {  	_ =	shalt  }
0x4b: {  	_ =	shalt  }
0x4c: {  	_ =	shalt  }
0x4d: {  	_ =	shalt  }
0x4e: {  	_ =	shalt  }
0x4f: {  	_ =	shalt  }
0x50: {  	_ =	shalt  }
0x51: {  	_ =	shalt  }
0x52: {  	_ =	shalt  }
0x53: {  	_ =	shalt  }
0x54: {  	_ =	shalt  }
0x55: {  	_ =	shalt  }
0x56: {  	_ =	shalt  }
0x57: {  	_ =	shalt  }
0x58: {  	_ =	shalt  }
0x59: {  	_ =	shalt  }
0x5a: {  	_ =	shalt  }
0x5b: {  	_ =	shalt  }
0x5c: {  	_ =	shalt  }
0x5d: {  	_ =	shalt  }
0x5e: {  	_ =	shalt  }
0x5f: {  	_ =	shalt  }
0x60: {  	_ =	shalt  }
0x61: {  	_ =	shalt  }
0x62: {  	_ =	shalt  }
0x63: {  	_ =	shalt  }
0x64: {  	_ =	shalt  }
0x65: {  	_ =	shalt  }
0x66: {  	_ =	shalt  }
0x67: {  	_ =	shalt  }
0x68: {  	_ =	shalt  }
0x69: {  	_ =	shalt  }
0x6a: {  	_ =	shalt  }
0x6b: {  	_ =	shalt  }
0x6c: {  	_ =	shalt  }
0x6d: {  	_ =	shalt  }
0x6e: {  	_ =	shalt  }
0x6f: {  	_ =	shalt  }
0x70: {  	_ =	shalt  }
0x71: {  	_ =	shalt  }
0x72: {  	_ =	shalt  }
0x73: {  	_ =	shalt  }
0x74: {  	_ =	shalt  }
0x75: {  	_ =	shalt  }
0x76: {  	_ =	shalt  }
0x77: {  	_ =	shalt  }
0x78: {  	_ =	shalt  }
0x79: {  	_ =	shalt  }
0x7a: {  	_ =	shalt  }
0x7b: {  	_ =	shalt  }
0x7c: {  	_ =	shalt  }
0x7d: {  	_ =	shalt  }
0x7e: {  	_ =	shalt  }
0x7f: {  	_ =	shalt  }
0x80: {  	_ =	shalt  }
0x81: {  	_ =	shalt  }
0x82: {  	_ =	shalt  }
0x83: {  	_ =	shalt  }
0x84: {  	_ =	shalt  }
0x85: {  	_ =	shalt  }
0x86: {  	_ =	shalt  }
0x87: {  	_ =	shalt  }
.Lfunc_end0:
.L_simem_size_0:
called_computation_lowered:
.L_overlay_start_0:
0x88: {  	s2 =	sld [smem:$0x3FD9]  }
0x89: {  	s3 =	sld [smem:$0x3FFE];
	_ =	sdelay $0x1  }
0x8a: {  	s1 =	srdreg.scid  }
0x8b: {  	s0 =	sand.u32 $0x1, s1  }
0x8c: {  	s17 =	sshll.u32 s0, $0xA;
	s2 =	sadd.s32 s3, s2  }
0x8d: {  	s2 =	sadd.s32 s2, s17  }
0x8e: {  	[smem:$0x3FC5] =	sst s2  }
0x8f: {  	_ = 	snop  }
0x90: {  	s2 =	sld [smem:$0x3FD0];
	(tm) =	ssettm $0x1  }
0x91: {  	s18 =	sld [smem:$0x3FFB];
	_ =	sdelay $0x3  }
0x92: {  	_ =	strace s18  }
0x93: {  	s3 =	sld [smem:$0x3FFC];
	_ =	sdelay $0x3  }
0x94: {  	_ =	strace s3  }
0x95: {  	s3 =	sld [smem:$0x3FFD];
	_ =	sdelay $0x3  }
0x96: {  	_ =	strace s3  }
0x97: {  	_ =	strace $0x8FFFFFFF  }
0x98: {  	s19 =	sld [smem:$0x3FDB];
	_ =	sdelay $0x1  }
0x99: {  	s4 =	simm.s32 $_scs_section_size  }
0x9a: {  	s5 =	simm.s32 $_size__tile_overlayer_lowered;
	s6 =	simm.s32 $_tile_overlayer_lowered  }
0x9b: {  	s22 =	simm.s32 $0x1BFF;
	s21 =	sshll.u32 s6, $0x1;
	s3 =	sadd.s32 s4, s19  }
0x9c: {  	s7 =	simm.s32 $0x0;
	s20 =	sshll.u32 s5, $0x1;
	s5 =	sadd.s32 s21, s3  }
0x9d: {  	[timem:s7], [sflag:s22] =	dma.local [hbm:s5], s20  }
0x9e: {  	_ =	swait.ge [sflag:s22], s20  }
0x9f: {  	s4 =	ssub.s32 $0x0, s20;
	[sflag:s22] =	ssyncset.done $0x0  }
0xa0: {  	[sflag:s22] =	ssyncadd.s32 s4;
	_ =	sdelay $0x1  }
0xa1: {  	s23 =	simm.s32 $0x1B8B  }
0xa2: {  	_ =	swait.ge [sflag:s23], $0x1  }
0xa3: {  	[sflag:s23] =	ssyncset.done $0x0  }
0xa4: {  	s25 =	simm.s32 $0x1B8E;
	s24 =	sld [smem:$0x3FFE];
	[sflag:s23] =	ssyncadd.s32 $0xFFFFFFFF  }
0xa5: {  	s26 =	simm.s32 $execute0_lowered;
	[smem:$0x3FD2] =	sst s25  }
0xa6: {  	s5 =	sshll.u32 s26, $0x1;
	_ =	strace $0x80000046;
	[dreg:$0x1] =	wrdreg $0xFFFFFFFF  }
0xa7: {  	s28 =	simm.s32 $_size_execute0_lowered;
	s3 =	sadd.s32 s3, s5;
	[dreg:$0x0] =	wrdreg $0x0  }
0xa8: {  	s5 =	sshll.u32 s28, $0x1;
	[dreg:$0x2] =	wrdreg s3  }
0xa9: {  	[dreg:$0x3] =	wrdreg s5  }
0xaa: {  	[dreg:$0x4] =	wrdreg $0xC0  }
0xab: {  	_ =	task [dreg:s7], $0x5FFFF  }
0xac: {  	[dreg:$0x1] =	wrdreg $0xFFFFFFFF  }
0xad: {  	[dreg:$0x0] =	wrdreg $0x60  }
0xae: {  	[dreg:$0x2] =	wrdreg s2  }
0xaf: {  	[dreg:$0x3] =	wrdreg s24  }
0xb0: {  	[dreg:$0x4] =	wrdreg $0x9  }
0xb1: {  	_ =	task.clear_ibuf [dreg:s7], $0x5FFFF;
	_ =	strace $0x90000046  }
0xb2: {  	s29 =	simm.s32 $0x9;
	_ =	strace $0x80000048  }
0xb3: {  	_ =	swait.ge [sflag:s29], $0x1  }
0xb4: {  	[sflag:s29] =	ssyncadd.s32 $0xFFFFFFFF  }
0xb5: {  	_ =	strace $0x90000048  }
0xb6: {  	_ =	sfence  }
0xb7: {  	s30 =	sld [smem:$0x0];
	_ =	sdelay $0x2  }
0xb8: {  	s31 =	sshll.u32 s1, $0xD;
	s1 =	sshrl.u32 s1, $0x2  }
0xb9: {  	s3 =	sand.u32 $0x4000, s31;
	s1 =	sadd.s32 s1, s30  }
0xba: {  	s0 =	sor.u32 s3, s0;
	s1 =	sshll.u32 s1, $0x11  }
0xbb: {  	s0 =	sor.u32 s1, s0  }
0xbc: {  	s0 =	sadd.s32 $0x8F2B, s0  }
0xbd: {  	[sflag:s0] =	ssyncadd.remote.s32 $0x1  }
0xbe: {  	_ =	sfence.sel $0xFFFF  }
0xbf: {  	[dreg:$0x0] =	wrdreg $0xFFFFFFFF;
	(pc) =	sbr.abs _section_cstart, $3  }
0xc0: {  	[dreg:$0x1] =	wrdreg $0xFFFFFFFF  }
0xc1: {  	_ =	task.clear_ibuf [dreg:s7], $0x2FFFF;
	_ =	strace $0x9FFFFFFF  }
0xc2: {  	(tm) =	ssettm $0x7FFFFFFF  }
0xc3: {  	_ =	shalt  }
tec
execute0_lowered:
.L_overlay_start_1:
0x0: {  	(tag) =	ssettag $0x1  }
0x1: {  	s1 =	srdreg.scid  }
0x2: {  	s0 =	stileid.u32;
	s13 =	sand.u32 $0x1, s1  }
0x3: {  	s2 =	rddreg [dreg:$0x0];
	s31 =	sshll.u32 s0, $0xD;
	s3 =	sshll.u32 s13, $0xC  }
0x4: {  	s9 =	rddreg [dreg:$0x1];
	s11 =	sor.u32 s3, s31  }
0x5: {  	s1 =	rddreg [dreg:$0x2];
	s3 =	simm.s32 $0x0;
	s4 =	sshrl.u32 s11, $0x3  }
0x6: {  	[smem:$0x7FF] =	sst s3;
	s4 =	sadd.s32 s4, s9  }
0x7: {  	_ =	strace $0x80000047;
	s5 =	sadd.s32 $0x600, s4;
	s4 =	simm.s32 $0x2  }
0x8: {  	[tilespmem:s3], [sflag:$0x2] =	stream.linear.gather [hbm4b:s5+s3], $0x1000, $0x38;
	[tilespmem:$0xD000] =	vst v63  }
0x9: {  	_ =	swait.ge [sflag:s4], $0x1000  }
0xa: {  	s6 =	simm.s32 $0x400;
	[sflag:s4] =	ssyncset.done $0x0  }
0xb: {  	s7 =	simm.s32 $0x1000;
	s8 =	simm.s32 $0x1;
	[sflag:s4] =	ssyncadd.s32 $0xFFFFF000  }
0xc: {  	[tilespmem:s7], [sflag:$0x1] =	stream.indirect.gather [hbm4b:s2+s6], $0x30, s3, s6, $0xb8;
	[tilespmem:$0xD000] =	vst v63  }
0xd: {  	s10 =	smul.u32 $0x6, s11;
	_ =	swait.ge [sflag:s8], $0xC000  }
0xe: {  	s12 =	sadd.s32 $0x4600, s9;
	[sflag:s8] =	ssyncset.done $0x0  }
0xf: {  	s9 =	sadd.s32 s12, s10;
	[sflag:s8] =	ssyncadd.s32 $0xFFFF4000  }
0x10: {  	[hbm4b:s9+s3] =	stream.linear.scatter [tilespmem:s7], [sflag:$0x2], $0xC000, $0x38;
	[tilespmem:$0xD000] =	vst v63  }
0x11: {  	_ =	swait.ge [sflag:s4], $0xC000  }
0x12: {  	[sflag:s4] =	ssyncset.done $0x0  }
0x13: {  	[sflag:s4] =	ssyncadd.s32 $0xFFFF4000  }
0x14: {  	[tilespmem:s7], [sflag:$0x1] =	stream.indirect.gather [hbm4b:s2+s6], $0x30, s6, s6, $0xb8;
	[tilespmem:$0xD000] =	vst v63  }
0x15: {  	_ =	swait.ge [sflag:s8], $0xC000  }
0x16: {  	[sflag:s8] =	ssyncset.done $0x0  }
0x17: {  	s10 =	sadd.s32 $0x1800, s9;
	[sflag:s8] =	ssyncadd.s32 $0xFFFF4000  }
0x18: {  	[hbm4b:s10+s3] =	stream.linear.scatter [tilespmem:s7], [sflag:$0x2], $0xC000, $0x38;
	[tilespmem:$0xD000] =	vst v63  }
0x19: {  	_ =	swait.ge [sflag:s4], $0xC000  }
0x1a: {  	[sflag:s4] =	ssyncset.done $0x0  }
0x1b: {  	s14 =	smul.u32 $0x30, s11;
	s11 =	simm.s32 $0x800;
	[sflag:s4] =	ssyncadd.s32 $0xFFFF4000  }
0x1c: {  	[tilespmem:s7], [sflag:$0x1] =	stream.indirect.gather [hbm4b:s2+s6], $0x30, s11, s6, $0xb8;
	[tilespmem:$0xD000] =	vst v63  }
0x1d: {  	s14 =	sshrl.u32 s14, $0x3;
	_ =	swait.ge [sflag:s8], $0xC000  }
0x1e: {  	s14 =	sadd.s32 s12, s14;
	[sflag:s8] =	ssyncset.done $0x0  }
0x1f: {  	s15 =	ssub.s32 $0x2, s13;
	s12 =	sadd.s32 $0x3000, s14;
	[sflag:s8] =	ssyncadd.s32 $0xFFFF4000  }
0x20: {  	[hbm4b:s12+s3] =	stream.linear.scatter [tilespmem:s7], [sflag:$0x2], $0xC000, $0x38;
	[tilespmem:$0xD000] =	vst v63  }
0x21: {  	s16 =	sshrl.u32 s15, $0x1;
	_ =	swait.ge [sflag:s4], $0xC000  }
0x22: {  	s15 =	ssub.s32 s15, s16;
	[sflag:s4] =	ssyncset.done $0x0  }
0x23: {  	s13 =	simm.s32 $0xC00;
	s15 =	smax.u32 s15, $0x1;
	[sflag:s4] =	ssyncadd.s32 $0xFFFF4000  }
0x24: {  	[tilespmem:s7], [sflag:$0x1] =	stream.indirect.gather [hbm4b:s2+s6], $0x30, s13, s6, $0xb8;
	[tilespmem:$0xD000] =	vst v63  }
0x25: {  	p0 =	sne.s32 s15, $0x1;
	_ =	swait.ge [sflag:s8], $0xC000  }
.Ltmp0:
0x26: {  	[sflag:s8] =	ssyncset.done $0x0;
	(pc) =	sbr.rel @!p0 .LBB2_2-.Ltmp0, $4  }
0x27: {  	s14 =	sadd.s32 $0x4800, s14;
	[sflag:s8] =	ssyncadd.s32 $0xFFFF4000  }
0x28: {  	[hbm4b:s14+s3] =	stream.linear.scatter [tilespmem:s7], [sflag:$0x2], $0xC000, $0x38;
	[tilespmem:$0xD000] =	vst v63  }
0x29: {  	_ =	swait.ge [sflag:s4], $0xC000  }
0x2a: {  	s15 =	sadd.s32 $0xFFFFFFFF, s15;
	[sflag:s4] =	ssyncset.done $0x0  }
.LBB2_1:
0x2b: {  	p0 =	sne.s32 s15, $0x1;
	s15 =	sadd.s32 $0xFFFFFFFF, s15;
	[sflag:s4] =	ssyncadd.s32 $0xFFFF4000  }
0x2c: {  	[tilespmem:s3], [sflag:$0x2] =	stream.linear.gather [hbm4b:s5+s3], $0x1000, $0x38;
	[tilespmem:$0xD000] =	vst v63  }
0x2d: {  	_ =	swait.ge [sflag:s4], $0x1000  }
0x2e: {  	[sflag:s4] =	ssyncset.done $0x0  }
0x2f: {  	[sflag:s4] =	ssyncadd.s32 $0xFFFFF000  }
0x30: {  	[tilespmem:s7], [sflag:$0x1] =	stream.indirect.gather [hbm4b:s2+s6], $0x30, s3, s6, $0xb8;
	[tilespmem:$0xD000] =	vst v63  }
0x31: {  	_ =	swait.ge [sflag:s8], $0xC000  }
0x32: {  	[sflag:s8] =	ssyncset.done $0x0  }
0x33: {  	[sflag:s8] =	ssyncadd.s32 $0xFFFF4000  }
0x34: {  	[hbm4b:s9+s3] =	stream.linear.scatter [tilespmem:s7], [sflag:$0x2], $0xC000, $0x38;
	[tilespmem:$0xD000] =	vst v63  }
0x35: {  	_ =	swait.ge [sflag:s4], $0xC000  }
0x36: {  	[sflag:s4] =	ssyncset.done $0x0  }
0x37: {  	[sflag:s4] =	ssyncadd.s32 $0xFFFF4000  }
0x38: {  	[tilespmem:s7], [sflag:$0x1] =	stream.indirect.gather [hbm4b:s2+s6], $0x30, s6, s6, $0xb8;
	[tilespmem:$0xD000] =	vst v63  }
0x39: {  	_ =	swait.ge [sflag:s8], $0xC000  }
0x3a: {  	[sflag:s8] =	ssyncset.done $0x0  }
0x3b: {  	[sflag:s8] =	ssyncadd.s32 $0xFFFF4000  }
0x3c: {  	[hbm4b:s10+s3] =	stream.linear.scatter [tilespmem:s7], [sflag:$0x2], $0xC000, $0x38;
	[tilespmem:$0xD000] =	vst v63  }
0x3d: {  	_ =	swait.ge [sflag:s4], $0xC000  }
0x3e: {  	[sflag:s4] =	ssyncset.done $0x0  }
0x3f: {  	[sflag:s4] =	ssyncadd.s32 $0xFFFF4000  }
0x40: {  	[tilespmem:s7], [sflag:$0x1] =	stream.indirect.gather [hbm4b:s2+s6], $0x30, s11, s6, $0xb8;
	[tilespmem:$0xD000] =	vst v63  }
0x41: {  	_ =	swait.ge [sflag:s8], $0xC000  }
0x42: {  	[sflag:s8] =	ssyncset.done $0x0  }
0x43: {  	[sflag:s8] =	ssyncadd.s32 $0xFFFF4000  }
0x44: {  	[hbm4b:s12+s3] =	stream.linear.scatter [tilespmem:s7], [sflag:$0x2], $0xC000, $0x38;
	[tilespmem:$0xD000] =	vst v63  }
0x45: {  	_ =	swait.ge [sflag:s4], $0xC000  }
0x46: {  	[sflag:s4] =	ssyncset.done $0x0  }
0x47: {  	[sflag:s4] =	ssyncadd.s32 $0xFFFF4000  }
0x48: {  	[tilespmem:s7], [sflag:$0x1] =	stream.indirect.gather [hbm4b:s2+s6], $0x30, s13, s6, $0xb8;
	[tilespmem:$0xD000] =	vst v63  }
0x49: {  	_ =	swait.ge [sflag:s8], $0xC000  }
.Ltmp1:
0x4a: {  	[sflag:s8] =	ssyncset.done $0x0;
	(pc) =	sbr.rel @p0 .LBB2_1-.Ltmp1, $4  }
0x4b: {  	[sflag:s8] =	ssyncadd.s32 $0xFFFF4000  }
0x4c: {  	[hbm4b:s14+s3] =	stream.linear.scatter [tilespmem:s7], [sflag:$0x2], $0xC000, $0x38;
	[tilespmem:$0xD000] =	vst v63  }
0x4d: {  	_ =	swait.ge [sflag:s4], $0xC000  }
0x4e: {  	[sflag:s4] =	ssyncset.done $0x0  }
.LBB2_2:
0x4f: {  	[sflag:s4] =	ssyncadd.s32 $0xFFFF4000  }
0x50: {  	_ =	sfence.sel $0x180000  }
0x51: {  	[bflag:$0x0] =	sbarrier.arrive $0xFFFF  }
0x52: {  	p0 =	sne.s32 s0, $0x0;
	_ =	strace $0x90000047  }
0x53: {  	s0 =	sadd.s32 @!p0 $0x100000, s1;
	[bflag:$0x2] =	sbarrier.arrive $0xFFFF  }
0x54: {  	[sflag:s0] =	ssyncadd.tile.s32 @!p0 $0x1;
	_ =	shalt  }
.Lfunc_end2:
_tile_overlayer_lowered:
.L_overlay_start_2:
0x55: {  	(tag) =	ssettag $0x2  }
0x56: {  	s0 =	rddreg [dreg:$0x0];
	s2 =	stileid.u32  }
0x57: {  	s1 =	rddreg [dreg:$0x1];
	p0 =	sne.s32 s2, $0x0  }
0x58: {  	s3 =	rddreg [dreg:$0x2];
	[bflag:$0x3] =	sbarrier.arrive $0xFFFF;
	s2 =	simm.s32 @!p0 $0x1C02  }
0x59: {  	[timem:s3], [sflag:s2] =	dma.local @!p0 [hbm:s0], s1  }
0x5a: {  	s0 =	simm.s32 @!p0 $0x2  }
0x5b: {  	_ =	swait.ge @!p0 [sflag:s0], s1  }
0x5c: {  	s1 =	ssub.s32 @!p0 $0x0, s1;
	[sflag:s0] =	ssyncset.done @!p0 $0x0  }
0x5d: {  	[sflag:s0] =	ssyncadd.s32 @!p0 s1  }
0x5e: {  	[bflag:$0x3] =	sbarrier.arrive $0xFFFF  }
0x5f: {  	_ =	shalt  }

</sc_bundles>
